<compile_context>
chip_gen: v7x
topology: tpu7x:2x2x1
jax: 0.10.2.dev20260603
libtpu: 0.0.44.dev20260713+nightly
codegen_flags: <defaults>
</compile_context>

<pallas_src>
import functools

import jax
import jax.numpy as jnp
from jax import lax
from jax.experimental import pallas as pl
from jax.experimental.pallas import tpu as pltpu
from jax.experimental.pallas import tpu_sc as plsc

DIM = 64
CODEBOOK_SIZE = 1024
ROWS_PER_BLOCK = 1152
TOTAL_ROWS = 36864

_INFO = plsc.get_sparse_core_info()
_NC, _NS = _INFO.num_cores, _INFO.num_subcores
_NW = _NC * _NS
_BPW = TOTAL_ROWS // _NW
_CHUNK = 128
_NCHUNK = _BPW // _CHUNK


def _tc_body(x_ref, e_ref, idx_ref):
    x = x_ref[...]
    e = e_ref[...]
    cross = jax.lax.dot_general(
        x, e, (((1,), (1,)), ((), ())),
        preferred_element_type=jnp.float32,
    )
    x_sq = jnp.sum(x * x, axis=1, keepdims=True)
    e_sq = jnp.sum(e * e, axis=1)[None, :]
    dist = jnp.sqrt(x_sq - 2.0 * cross + e_sq)
    dmin = jnp.min(dist, axis=1, keepdims=True)
    iota = lax.broadcasted_iota(jnp.int32, dist.shape, 1)
    idx = jnp.min(jnp.where(dist == dmin, iota, CODEBOOK_SIZE),
                  axis=1).astype(jnp.int32)
    idx_ref[0, 0, :] = idx


def _sc_gather_body(table_hbm, idx_hbm, out_hbm, idx_v, rows_v, sem):
    wid = lax.axis_index("s") * _NC + lax.axis_index("c")
    pltpu.sync_copy(idx_hbm.at[wid], idx_v)
    copies = []
    for j in range(_NCHUNK):
        copies.append(pltpu.async_copy(
            table_hbm.at[idx_v.at[j]],
            rows_v.at[pl.ds(j * _CHUNK, _CHUNK)],
            sem,
        ))
    for c in copies:
        c.wait()
    pltpu.sync_copy(rows_v, out_hbm.at[pl.ds(wid * _BPW, _BPW)])


@functools.partial(
    pl.kernel,
    mesh=plsc.VectorSubcoreMesh(core_axis_name="c", subcore_axis_name="s"),
    out_type=jax.ShapeDtypeStruct((TOTAL_ROWS, DIM), jnp.float32),
    scratch_types=[
        pltpu.VMEM((_NCHUNK, _CHUNK), jnp.int32),
        pltpu.VMEM((_BPW, DIM), jnp.float32),
        pltpu.SemaphoreType.DMA,
    ],
    compiler_params=pltpu.CompilerParams(use_tc_tiling_on_sc=False),
)
def _sc_gather(table_hbm, idx_hbm, out_hbm, idx_v, rows_v, sem):
    _sc_gather_body(table_hbm, idx_hbm, out_hbm, idx_v, rows_v, sem)


@jax.jit
def kernel(x, embed):
    b, n, d = x.shape
    m = b * n
    nblk = m // ROWS_PER_BLOCK
    xf = x.reshape(m, d).astype(jnp.float32)
    e2d = embed[0].astype(jnp.float32)

    idx3 = pl.pallas_call(
        _tc_body,
        grid=(nblk,),
        in_specs=[
            pl.BlockSpec((ROWS_PER_BLOCK, d), lambda i: (i, 0)),
            pl.BlockSpec((CODEBOOK_SIZE, d), lambda i: (0, 0)),
        ],
        out_specs=pl.BlockSpec((1, 1, ROWS_PER_BLOCK), lambda i: (i, 0, 0)),
        out_shape=jax.ShapeDtypeStruct((nblk, 1, ROWS_PER_BLOCK), jnp.int32),
    )(xf, e2d)

    idx_flat = idx3.reshape(m)
    quant = _sc_gather(e2d, idx_flat.reshape(_NW, _NCHUNK, _CHUNK))
    embed_ind = idx_flat.reshape(b, n)
    quantize = quant.reshape(b, n, d)
    return quantize, embed_ind

# --- scband reference (transcript-rebuilt; emitter-appended) ---
"""Pipeline reference for scband-euclidean-codebook-1640677507240 (READ-ONLY COPY).

The authoritative reference and input builder live on the scoring server;
editing this copy changes nothing except your own understanding.
"""

import jax, jax.numpy as jnp
import numpy as np

DIM = 64
CODEBOOK_SIZE = 1024
NUM_CODEBOOKS = 1
B, N = 64, 576


def batched_embedding(indices, embeds):
    # indices: [h, b, n] int, embeds: [h, c, d]
    d = embeds.shape[-1]
    b = indices.shape[1]
    idx = jnp.broadcast_to(indices[..., None], indices.shape + (d,))  # h b n d
    emb = jnp.broadcast_to(embeds[:, None, :, :], (embeds.shape[0], b, embeds.shape[1], d))  # h b c d
    return jnp.take_along_axis(emb, idx, axis=2)


def setup_inputs(seed: int = 0) -> dict:
    key = jax.random.key(seed)
    k1, k2 = jax.random.split(key)
    x = jax.random.normal(k1, (B, N, DIM), dtype=jnp.float32)
    # kaiming_uniform_ on (num_codebooks, codebook_size, dim): fan_in = codebook_size*dim? torch computes
    # fan_in from last two dims; with a=sqrt(5) default gain, bound ~ 1/sqrt(fan_in). Use 1/sqrt(dim) scale approx.
    bound = 1.0 / np.sqrt(DIM)
    embed = jax.random.uniform(k2, (NUM_CODEBOOKS, CODEBOOK_SIZE, DIM), minval=-bound, maxval=bound, dtype=jnp.float32)
    return {"x": x, "embed": embed}


def reference(x, embed):
    # EuclideanCodebook.forward (eval path; initted=True since kmeans_init=False,
    # sample_codebook_temp=0 -> deterministic argmax, learnable_codebook=False)
    needs_codebook_dim = x.ndim < 4
    x = x.astype(jnp.float32)
    if needs_codebook_dim:
        x = x[None, ...]  # 1 b n d
    shape = x.shape
    h = shape[0]
    flatten = x.reshape(h, -1, shape[-1])  # h (b n) d
    # dist = -torch.cdist(flatten, embed, p=2)
    x_sq = jnp.sum(flatten * flatten, axis=-1, keepdims=True)            # h m 1
    e_sq = jnp.sum(embed * embed, axis=-1)[:, None, :]                   # h 1 c
    cross = jnp.einsum('hmd,hcd->hmc', flatten, embed)                   # h m c
    sq = jnp.clip(x_sq - 2.0 * cross + e_sq, 0.0, None)
    dist = -jnp.sqrt(sq)
    # gumbel_sample with temperature == 0 -> argmax
    embed_ind = jnp.argmax(dist, axis=-1)                                # h m
    embed_ind = embed_ind.reshape(shape[:-1])                            # h b n
    quantize = batched_embedding(embed_ind, embed)                       # h b n d
    if needs_codebook_dim:
        quantize = quantize[0]
        embed_ind = embed_ind[0]
    return quantize, embed_ind

if __name__ == "__main__":
    import jax
    _d = setup_inputs()
    print(jax.jit(kernel)(*tuple(_d.values())))

</pallas_src>

<mosaic_0001>
#map = affine_map<(d0, d1) -> (0, 0)>
#map1 = affine_map<(d0, d1) -> (0, 0, 0)>
module attributes {stable_mosaic.version = 14 : i64} {
  func.func @_sc_gather(%arg0: i32, %arg1: i32, %arg2: memref<1024x64xf32, #tpu.memory_space<hbm>>, %arg3: memref<32x9x128xi32, #tpu.memory_space<hbm>>, %arg4: memref<36864x64xf32, #tpu.memory_space<hbm>>, %arg5: memref<9x128xi32, #tpu.memory_space<vmem>>, %arg6: memref<1152x64xf32, #tpu.memory_space<vmem>>, %arg7: memref<!tpu.dma_semaphore, #tpu.memory_space<semaphore_mem>>) attributes {dimension_semantics = [#tpu.dimension_semantics<core_parallel>, #tpu.dimension_semantics<subcore_parallel>], iteration_bounds = array<i64: 2, 16>, scalar_prefetch = 0 : i64, scratch_operands = 3 : i64, tpu.core_type = #tpu.core_type<sc_vector_subcore>, window_params = [{transform_indices = #map}, {transform_indices = #map1}, {transform_indices = #map}]} {
    %mul3A = arith.constant 2 : i32
    %mul3A_0 = arith.muli %arg1, %mul3A : i32
    %add3A = arith.addi %mul3A_0, %arg0 : i32
    "tpu.region"() ({
      %run_scoped3A = tpu.sem_alloc : memref<!tpu.dma_semaphore, #tpu.memory_space<semaphore_mem>>
      %dma_start3A_181 = arith.constant 0 : i32
      %dma_start3A_182 = arith.constant 0 : i32
      %dma_start3A_183 = tpu.memref_slice %arg3[%add3A, %dma_start3A_181, %dma_start3A_182] : memref<32x9x128xi32, #tpu.memory_space<hbm>> -> memref<1x9x128xi32, #tpu.memory_space<hbm>>
      %dma_start3A_184 = tpu.memref_squeeze %dma_start3A_183 : memref<1x9x128xi32, #tpu.memory_space<hbm>> -> memref<9x128xi32, #tpu.memory_space<hbm>>
      %dma_start3A_185 = arith.constant 0 : i32
      %dma_start3A_186 = arith.constant 0 : i32
      %dma_start3A_187 = tpu.memref_slice %arg3[%add3A, %dma_start3A_185, %dma_start3A_186] : memref<32x9x128xi32, #tpu.memory_space<hbm>> -> memref<1x9x128xi32, #tpu.memory_space<hbm>>
      %dma_start3A_188 = tpu.memref_squeeze %dma_start3A_187 : memref<1x9x128xi32, #tpu.memory_space<hbm>> -> memref<9x128xi32, #tpu.memory_space<hbm>>
      tpu.enqueue_dma source(%dma_start3A_188 : memref<9x128xi32, #tpu.memory_space<hbm>>) target(%arg5 : memref<9x128xi32, #tpu.memory_space<vmem>>) target_semaphore(%run_scoped3A : memref<!tpu.dma_semaphore, #tpu.memory_space<semaphore_mem>>)
      %dma_wait3A_189 = arith.constant 0 : i32
      %dma_wait3A_190 = arith.constant 0 : i32
      %dma_wait3A_191 = tpu.memref_slice %arg3[%add3A, %dma_wait3A_189, %dma_wait3A_190] : memref<32x9x128xi32, #tpu.memory_space<hbm>> -> memref<1x9x128xi32, #tpu.memory_space<hbm>>
      %dma_wait3A_192 = tpu.memref_squeeze %dma_wait3A_191 : memref<1x9x128xi32, #tpu.memory_space<hbm>> -> memref<9x128xi32, #tpu.memory_space<hbm>>
      %dma_wait3A_193 = arith.constant 0 : i32
      %dma_wait3A_194 = arith.constant 0 : i32
      %dma_wait3A_195 = tpu.memref_slice %arg3[%add3A, %dma_wait3A_193, %dma_wait3A_194] : memref<32x9x128xi32, #tpu.memory_space<hbm>> -> memref<1x9x128xi32, #tpu.memory_space<hbm>>
      %dma_wait3A_196 = tpu.memref_squeeze %dma_wait3A_195 : memref<1x9x128xi32, #tpu.memory_space<hbm>> -> memref<9x128xi32, #tpu.memory_space<hbm>>
      tpu.wait_dma2 semaphore(%run_scoped3A : memref<!tpu.dma_semaphore, #tpu.memory_space<semaphore_mem>>) src(%dma_wait3A_196 : memref<9x128xi32, #tpu.memory_space<hbm>>) dst(%arg5 : memref<9x128xi32, #tpu.memory_space<vmem>>)
      tpu.yield
    }) : () -> ()
    %dma_start3A = arith.constant 0 : i32
    %dma_start3A_1 = arith.constant 0 : i32
    %dma_start3A_2 = arith.constant 0 : i32
    %dma_start3A_3 = tpu.memref_slice %arg6[%dma_start3A_1, %dma_start3A_2] : memref<1152x64xf32, #tpu.memory_space<vmem>> -> memref<128x64xf32, #tpu.memory_space<vmem>>
    %dma_start3A_4 = arith.constant 0 : i32
    %dma_start3A_5 = tpu.memref_slice %arg5[%dma_start3A, %dma_start3A_4] : memref<9x128xi32, #tpu.memory_space<vmem>> -> memref<1x128xi32, #tpu.memory_space<vmem>>
    %dma_start3A_6 = tpu.memref_squeeze %dma_start3A_5 : memref<1x128xi32, #tpu.memory_space<vmem>> -> memref<128xi32, #tpu.memory_space<vmem>>
    %dma_start3A_7 = arith.constant 0 : i32
    %dma_start3A_8 = arith.constant 0 : i32
    %dma_start3A_9 = tpu.memref_slice %arg2[%dma_start3A_7, %dma_start3A_8] : memref<1024x64xf32, #tpu.memory_space<hbm>> -> memref<1024x64xf32, #tpu.memory_space<hbm>>
    tpu.enqueue_indirect_dma source(%dma_start3A_9 : memref<1024x64xf32, #tpu.memory_space<hbm>>) target(%dma_start3A_3 : memref<128x64xf32, #tpu.memory_space<vmem>>) offsets(%dma_start3A_6 : memref<128xi32, #tpu.memory_space<vmem>>) semaphore(%arg7 : memref<!tpu.dma_semaphore, #tpu.memory_space<semaphore_mem>>)
    %dma_start3A_10 = arith.constant 1 : i32
    %dma_start3A_11 = arith.constant 128 : i32
    %dma_start3A_12 = arith.constant 0 : i32
    %dma_start3A_13 = tpu.memref_slice %arg6[%dma_start3A_11, %dma_start3A_12] : memref<1152x64xf32, #tpu.memory_space<vmem>> -> memref<128x64xf32, #tpu.memory_space<vmem>>
    %dma_start3A_14 = arith.constant 0 : i32
    %dma_start3A_15 = tpu.memref_slice %arg5[%dma_start3A_10, %dma_start3A_14] : memref<9x128xi32, #tpu.memory_space<vmem>> -> memref<1x128xi32, #tpu.memory_space<vmem>>
    %dma_start3A_16 = tpu.memref_squeeze %dma_start3A_15 : memref<1x128xi32, #tpu.memory_space<vmem>> -> memref<128xi32, #tpu.memory_space<vmem>>
    %dma_start3A_17 = arith.constant 0 : i32
    %dma_start3A_18 = arith.constant 0 : i32
    %dma_start3A_19 = tpu.memref_slice %arg2[%dma_start3A_17, %dma_start3A_18] : memref<1024x64xf32, #tpu.memory_space<hbm>> -> memref<1024x64xf32, #tpu.memory_space<hbm>>
    tpu.enqueue_indirect_dma source(%dma_start3A_19 : memref<1024x64xf32, #tpu.memory_space<hbm>>) target(%dma_start3A_13 : memref<128x64xf32, #tpu.memory_space<vmem>>) offsets(%dma_start3A_16 : memref<128xi32, #tpu.memory_space<vmem>>) semaphore(%arg7 : memref<!tpu.dma_semaphore, #tpu.memory_space<semaphore_mem>>)
    %dma_start3A_20 = arith.constant 2 : i32
    %dma_start3A_21 = arith.constant 256 : i32
    %dma_start3A_22 = arith.constant 0 : i32
    %dma_start3A_23 = tpu.memref_slice %arg6[%dma_start3A_21, %dma_start3A_22] : memref<1152x64xf32, #tpu.memory_space<vmem>> -> memref<128x64xf32, #tpu.memory_space<vmem>>
    %dma_start3A_24 = arith.constant 0 : i32
    %dma_start3A_25 = tpu.memref_slice %arg5[%dma_start3A_20, %dma_start3A_24] : memref<9x128xi32, #tpu.memory_space<vmem>> -> memref<1x128xi32, #tpu.memory_space<vmem>>
    %dma_start3A_26 = tpu.memref_squeeze %dma_start3A_25 : memref<1x128xi32, #tpu.memory_space<vmem>> -> memref<128xi32, #tpu.memory_space<vmem>>
    %dma_start3A_27 = arith.constant 0 : i32
    %dma_start3A_28 = arith.constant 0 : i32
    %dma_start3A_29 = tpu.memref_slice %arg2[%dma_start3A_27, %dma_start3A_28] : memref<1024x64xf32, #tpu.memory_space<hbm>> -> memref<1024x64xf32, #tpu.memory_space<hbm>>
    tpu.enqueue_indirect_dma source(%dma_start3A_29 : memref<1024x64xf32, #tpu.memory_space<hbm>>) target(%dma_start3A_23 : memref<128x64xf32, #tpu.memory_space<vmem>>) offsets(%dma_start3A_26 : memref<128xi32, #tpu.memory_space<vmem>>) semaphore(%arg7 : memref<!tpu.dma_semaphore, #tpu.memory_space<semaphore_mem>>)
    %dma_start3A_30 = arith.constant 3 : i32
    %dma_start3A_31 = arith.constant 384 : i32
    %dma_start3A_32 = arith.constant 0 : i32
    %dma_start3A_33 = tpu.memref_slice %arg6[%dma_start3A_31, %dma_start3A_32] : memref<1152x64xf32, #tpu.memory_space<vmem>> -> memref<128x64xf32, #tpu.memory_space<vmem>>
    %dma_start3A_34 = arith.constant 0 : i32
    %dma_start3A_35 = tpu.memref_slice %arg5[%dma_start3A_30, %dma_start3A_34] : memref<9x128xi32, #tpu.memory_space<vmem>> -> memref<1x128xi32, #tpu.memory_space<vmem>>
    %dma_start3A_36 = tpu.memref_squeeze %dma_start3A_35 : memref<1x128xi32, #tpu.memory_space<vmem>> -> memref<128xi32, #tpu.memory_space<vmem>>
    %dma_start3A_37 = arith.constant 0 : i32
    %dma_start3A_38 = arith.constant 0 : i32
    %dma_start3A_39 = tpu.memref_slice %arg2[%dma_start3A_37, %dma_start3A_38] : memref<1024x64xf32, #tpu.memory_space<hbm>> -> memref<1024x64xf32, #tpu.memory_space<hbm>>
    tpu.enqueue_indirect_dma source(%dma_start3A_39 : memref<1024x64xf32, #tpu.memory_space<hbm>>) target(%dma_start3A_33 : memref<128x64xf32, #tpu.memory_space<vmem>>) offsets(%dma_start3A_36 : memref<128xi32, #tpu.memory_space<vmem>>) semaphore(%arg7 : memref<!tpu.dma_semaphore, #tpu.memory_space<semaphore_mem>>)
    %dma_start3A_40 = arith.constant 4 : i32
    %dma_start3A_41 = arith.constant 512 : i32
    %dma_start3A_42 = arith.constant 0 : i32
    %dma_start3A_43 = tpu.memref_slice %arg6[%dma_start3A_41, %dma_start3A_42] : memref<1152x64xf32, #tpu.memory_space<vmem>> -> memref<128x64xf32, #tpu.memory_space<vmem>>
    %dma_start3A_44 = arith.constant 0 : i32
    %dma_start3A_45 = tpu.memref_slice %arg5[%dma_start3A_40, %dma_start3A_44] : memref<9x128xi32, #tpu.memory_space<vmem>> -> memref<1x128xi32, #tpu.memory_space<vmem>>
    %dma_start3A_46 = tpu.memref_squeeze %dma_start3A_45 : memref<1x128xi32, #tpu.memory_space<vmem>> -> memref<128xi32, #tpu.memory_space<vmem>>
    %dma_start3A_47 = arith.constant 0 : i32
    %dma_start3A_48 = arith.constant 0 : i32
    %dma_start3A_49 = tpu.memref_slice %arg2[%dma_start3A_47, %dma_start3A_48] : memref<1024x64xf32, #tpu.memory_space<hbm>> -> memref<1024x64xf32, #tpu.memory_space<hbm>>
    tpu.enqueue_indirect_dma source(%dma_start3A_49 : memref<1024x64xf32, #tpu.memory_space<hbm>>) target(%dma_start3A_43 : memref<128x64xf32, #tpu.memory_space<vmem>>) offsets(%dma_start3A_46 : memref<128xi32, #tpu.memory_space<vmem>>) semaphore(%arg7 : memref<!tpu.dma_semaphore, #tpu.memory_space<semaphore_mem>>)
    %dma_start3A_50 = arith.constant 5 : i32
    %dma_start3A_51 = arith.constant 640 : i32
    %dma_start3A_52 = arith.constant 0 : i32
    %dma_start3A_53 = tpu.memref_slice %arg6[%dma_start3A_51, %dma_start3A_52] : memref<1152x64xf32, #tpu.memory_space<vmem>> -> memref<128x64xf32, #tpu.memory_space<vmem>>
    %dma_start3A_54 = arith.constant 0 : i32
    %dma_start3A_55 = tpu.memref_slice %arg5[%dma_start3A_50, %dma_start3A_54] : memref<9x128xi32, #tpu.memory_space<vmem>> -> memref<1x128xi32, #tpu.memory_space<vmem>>
    %dma_start3A_56 = tpu.memref_squeeze %dma_start3A_55 : memref<1x128xi32, #tpu.memory_space<vmem>> -> memref<128xi32, #tpu.memory_space<vmem>>
    %dma_start3A_57 = arith.constant 0 : i32
    %dma_start3A_58 = arith.constant 0 : i32
    %dma_start3A_59 = tpu.memref_slice %arg2[%dma_start3A_57, %dma_start3A_58] : memref<1024x64xf32, #tpu.memory_space<hbm>> -> memref<1024x64xf32, #tpu.memory_space<hbm>>
    tpu.enqueue_indirect_dma source(%dma_start3A_59 : memref<1024x64xf32, #tpu.memory_space<hbm>>) target(%dma_start3A_53 : memref<128x64xf32, #tpu.memory_space<vmem>>) offsets(%dma_start3A_56 : memref<128xi32, #tpu.memory_space<vmem>>) semaphore(%arg7 : memref<!tpu.dma_semaphore, #tpu.memory_space<semaphore_mem>>)
    %dma_start3A_60 = arith.constant 6 : i32
    %dma_start3A_61 = arith.constant 768 : i32
    %dma_start3A_62 = arith.constant 0 : i32
    %dma_start3A_63 = tpu.memref_slice %arg6[%dma_start3A_61, %dma_start3A_62] : memref<1152x64xf32, #tpu.memory_space<vmem>> -> memref<128x64xf32, #tpu.memory_space<vmem>>
    %dma_start3A_64 = arith.constant 0 : i32
    %dma_start3A_65 = tpu.memref_slice %arg5[%dma_start3A_60, %dma_start3A_64] : memref<9x128xi32, #tpu.memory_space<vmem>> -> memref<1x128xi32, #tpu.memory_space<vmem>>
    %dma_start3A_66 = tpu.memref_squeeze %dma_start3A_65 : memref<1x128xi32, #tpu.memory_space<vmem>> -> memref<128xi32, #tpu.memory_space<vmem>>
    %dma_start3A_67 = arith.constant 0 : i32
    %dma_start3A_68 = arith.constant 0 : i32
    %dma_start3A_69 = tpu.memref_slice %arg2[%dma_start3A_67, %dma_start3A_68] : memref<1024x64xf32, #tpu.memory_space<hbm>> -> memref<1024x64xf32, #tpu.memory_space<hbm>>
    tpu.enqueue_indirect_dma source(%dma_start3A_69 : memref<1024x64xf32, #tpu.memory_space<hbm>>) target(%dma_start3A_63 : memref<128x64xf32, #tpu.memory_space<vmem>>) offsets(%dma_start3A_66 : memref<128xi32, #tpu.memory_space<vmem>>) semaphore(%arg7 : memref<!tpu.dma_semaphore, #tpu.memory_space<semaphore_mem>>)
    %dma_start3A_70 = arith.constant 7 : i32
    %dma_start3A_71 = arith.constant 896 : i32
    %dma_start3A_72 = arith.constant 0 : i32
    %dma_start3A_73 = tpu.memref_slice %arg6[%dma_start3A_71, %dma_start3A_72] : memref<1152x64xf32, #tpu.memory_space<vmem>> -> memref<128x64xf32, #tpu.memory_space<vmem>>
    %dma_start3A_74 = arith.constant 0 : i32
    %dma_start3A_75 = tpu.memref_slice %arg5[%dma_start3A_70, %dma_start3A_74] : memref<9x128xi32, #tpu.memory_space<vmem>> -> memref<1x128xi32, #tpu.memory_space<vmem>>
    %dma_start3A_76 = tpu.memref_squeeze %dma_start3A_75 : memref<1x128xi32, #tpu.memory_space<vmem>> -> memref<128xi32, #tpu.memory_space<vmem>>
    %dma_start3A_77 = arith.constant 0 : i32
    %dma_start3A_78 = arith.constant 0 : i32
    %dma_start3A_79 = tpu.memref_slice %arg2[%dma_start3A_77, %dma_start3A_78] : memref<1024x64xf32, #tpu.memory_space<hbm>> -> memref<1024x64xf32, #tpu.memory_space<hbm>>
    tpu.enqueue_indirect_dma source(%dma_start3A_79 : memref<1024x64xf32, #tpu.memory_space<hbm>>) target(%dma_start3A_73 : memref<128x64xf32, #tpu.memory_space<vmem>>) offsets(%dma_start3A_76 : memref<128xi32, #tpu.memory_space<vmem>>) semaphore(%arg7 : memref<!tpu.dma_semaphore, #tpu.memory_space<semaphore_mem>>)
    %dma_start3A_80 = arith.constant 8 : i32
    %dma_start3A_81 = arith.constant 1024 : i32
    %dma_start3A_82 = arith.constant 0 : i32
    %dma_start3A_83 = tpu.memref_slice %arg6[%dma_start3A_81, %dma_start3A_82] : memref<1152x64xf32, #tpu.memory_space<vmem>> -> memref<128x64xf32, #tpu.memory_space<vmem>>
    %dma_start3A_84 = arith.constant 0 : i32
    %dma_start3A_85 = tpu.memref_slice %arg5[%dma_start3A_80, %dma_start3A_84] : memref<9x128xi32, #tpu.memory_space<vmem>> -> memref<1x128xi32, #tpu.memory_space<vmem>>
    %dma_start3A_86 = tpu.memref_squeeze %dma_start3A_85 : memref<1x128xi32, #tpu.memory_space<vmem>> -> memref<128xi32, #tpu.memory_space<vmem>>
    %dma_start3A_87 = arith.constant 0 : i32
    %dma_start3A_88 = arith.constant 0 : i32
    %dma_start3A_89 = tpu.memref_slice %arg2[%dma_start3A_87, %dma_start3A_88] : memref<1024x64xf32, #tpu.memory_space<hbm>> -> memref<1024x64xf32, #tpu.memory_space<hbm>>
    tpu.enqueue_indirect_dma source(%dma_start3A_89 : memref<1024x64xf32, #tpu.memory_space<hbm>>) target(%dma_start3A_83 : memref<128x64xf32, #tpu.memory_space<vmem>>) offsets(%dma_start3A_86 : memref<128xi32, #tpu.memory_space<vmem>>) semaphore(%arg7 : memref<!tpu.dma_semaphore, #tpu.memory_space<semaphore_mem>>)
    %dma_wait3A = arith.constant 0 : i32
    %dma_wait3A_90 = arith.constant 0 : i32
    %dma_wait3A_91 = arith.constant 0 : i32
    %dma_wait3A_92 = tpu.memref_slice %arg6[%dma_wait3A_90, %dma_wait3A_91] : memref<1152x64xf32, #tpu.memory_space<vmem>> -> memref<128x64xf32, #tpu.memory_space<vmem>>
    %dma_wait3A_93 = arith.constant 0 : i32
    %dma_wait3A_94 = tpu.memref_slice %arg5[%dma_wait3A, %dma_wait3A_93] : memref<9x128xi32, #tpu.memory_space<vmem>> -> memref<1x128xi32, #tpu.memory_space<vmem>>
    %dma_wait3A_95 = tpu.memref_squeeze %dma_wait3A_94 : memref<1x128xi32, #tpu.memory_space<vmem>> -> memref<128xi32, #tpu.memory_space<vmem>>
    %dma_wait3A_96 = arith.constant 0 : i32
    %dma_wait3A_97 = arith.constant 0 : i32
    %dma_wait3A_98 = tpu.memref_slice %arg2[%dma_wait3A_96, %dma_wait3A_97] : memref<1024x64xf32, #tpu.memory_space<hbm>> -> memref<1024x64xf32, #tpu.memory_space<hbm>>
    tpu.wait_indirect_dma semaphore(%arg7 : memref<!tpu.dma_semaphore, #tpu.memory_space<semaphore_mem>>) src(%dma_wait3A_98 : memref<1024x64xf32, #tpu.memory_space<hbm>>) dst(%dma_wait3A_92 : memref<128x64xf32, #tpu.memory_space<vmem>>)
    %dma_wait3A_99 = arith.constant 1 : i32
    %dma_wait3A_100 = arith.constant 128 : i32
    %dma_wait3A_101 = arith.constant 0 : i32
    %dma_wait3A_102 = tpu.memref_slice %arg6[%dma_wait3A_100, %dma_wait3A_101] : memref<1152x64xf32, #tpu.memory_space<vmem>> -> memref<128x64xf32, #tpu.memory_space<vmem>>
    %dma_wait3A_103 = arith.constant 0 : i32
    %dma_wait3A_104 = tpu.memref_slice %arg5[%dma_wait3A_99, %dma_wait3A_103] : memref<9x128xi32, #tpu.memory_space<vmem>> -> memref<1x128xi32, #tpu.memory_space<vmem>>
    %dma_wait3A_105 = tpu.memref_squeeze %dma_wait3A_104 : memref<1x128xi32, #tpu.memory_space<vmem>> -> memref<128xi32, #tpu.memory_space<vmem>>
    %dma_wait3A_106 = arith.constant 0 : i32
    %dma_wait3A_107 = arith.constant 0 : i32
    %dma_wait3A_108 = tpu.memref_slice %arg2[%dma_wait3A_106, %dma_wait3A_107] : memref<1024x64xf32, #tpu.memory_space<hbm>> -> memref<1024x64xf32, #tpu.memory_space<hbm>>
    tpu.wait_indirect_dma semaphore(%arg7 : memref<!tpu.dma_semaphore, #tpu.memory_space<semaphore_mem>>) src(%dma_wait3A_108 : memref<1024x64xf32, #tpu.memory_space<hbm>>) dst(%dma_wait3A_102 : memref<128x64xf32, #tpu.memory_space<vmem>>)
    %dma_wait3A_109 = arith.constant 2 : i32
    %dma_wait3A_110 = arith.constant 256 : i32
    %dma_wait3A_111 = arith.constant 0 : i32
    %dma_wait3A_112 = tpu.memref_slice %arg6[%dma_wait3A_110, %dma_wait3A_111] : memref<1152x64xf32, #tpu.memory_space<vmem>> -> memref<128x64xf32, #tpu.memory_space<vmem>>
    %dma_wait3A_113 = arith.constant 0 : i32
    %dma_wait3A_114 = tpu.memref_slice %arg5[%dma_wait3A_109, %dma_wait3A_113] : memref<9x128xi32, #tpu.memory_space<vmem>> -> memref<1x128xi32, #tpu.memory_space<vmem>>
    %dma_wait3A_115 = tpu.memref_squeeze %dma_wait3A_114 : memref<1x128xi32, #tpu.memory_space<vmem>> -> memref<128xi32, #tpu.memory_space<vmem>>
    %dma_wait3A_116 = arith.constant 0 : i32
    %dma_wait3A_117 = arith.constant 0 : i32
    %dma_wait3A_118 = tpu.memref_slice %arg2[%dma_wait3A_116, %dma_wait3A_117] : memref<1024x64xf32, #tpu.memory_space<hbm>> -> memref<1024x64xf32, #tpu.memory_space<hbm>>
    tpu.wait_indirect_dma semaphore(%arg7 : memref<!tpu.dma_semaphore, #tpu.memory_space<semaphore_mem>>) src(%dma_wait3A_118 : memref<1024x64xf32, #tpu.memory_space<hbm>>) dst(%dma_wait3A_112 : memref<128x64xf32, #tpu.memory_space<vmem>>)
    %dma_wait3A_119 = arith.constant 3 : i32
    %dma_wait3A_120 = arith.constant 384 : i32
    %dma_wait3A_121 = arith.constant 0 : i32
    %dma_wait3A_122 = tpu.memref_slice %arg6[%dma_wait3A_120, %dma_wait3A_121] : memref<1152x64xf32, #tpu.memory_space<vmem>> -> memref<128x64xf32, #tpu.memory_space<vmem>>
    %dma_wait3A_123 = arith.constant 0 : i32
    %dma_wait3A_124 = tpu.memref_slice %arg5[%dma_wait3A_119, %dma_wait3A_123] : memref<9x128xi32, #tpu.memory_space<vmem>> -> memref<1x128xi32, #tpu.memory_space<vmem>>
    %dma_wait3A_125 = tpu.memref_squeeze %dma_wait3A_124 : memref<1x128xi32, #tpu.memory_space<vmem>> -> memref<128xi32, #tpu.memory_space<vmem>>
    %dma_wait3A_126 = arith.constant 0 : i32
    %dma_wait3A_127 = arith.constant 0 : i32
    %dma_wait3A_128 = tpu.memref_slice %arg2[%dma_wait3A_126, %dma_wait3A_127] : memref<1024x64xf32, #tpu.memory_space<hbm>> -> memref<1024x64xf32, #tpu.memory_space<hbm>>
    tpu.wait_indirect_dma semaphore(%arg7 : memref<!tpu.dma_semaphore, #tpu.memory_space<semaphore_mem>>) src(%dma_wait3A_128 : memref<1024x64xf32, #tpu.memory_space<hbm>>) dst(%dma_wait3A_122 : memref<128x64xf32, #tpu.memory_space<vmem>>)
    %dma_wait3A_129 = arith.constant 4 : i32
    %dma_wait3A_130 = arith.constant 512 : i32
    %dma_wait3A_131 = arith.constant 0 : i32
    %dma_wait3A_132 = tpu.memref_slice %arg6[%dma_wait3A_130, %dma_wait3A_131] : memref<1152x64xf32, #tpu.memory_space<vmem>> -> memref<128x64xf32, #tpu.memory_space<vmem>>
    %dma_wait3A_133 = arith.constant 0 : i32
    %dma_wait3A_134 = tpu.memref_slice %arg5[%dma_wait3A_129, %dma_wait3A_133] : memref<9x128xi32, #tpu.memory_space<vmem>> -> memref<1x128xi32, #tpu.memory_space<vmem>>
    %dma_wait3A_135 = tpu.memref_squeeze %dma_wait3A_134 : memref<1x128xi32, #tpu.memory_space<vmem>> -> memref<128xi32, #tpu.memory_space<vmem>>
    %dma_wait3A_136 = arith.constant 0 : i32
    %dma_wait3A_137 = arith.constant 0 : i32
    %dma_wait3A_138 = tpu.memref_slice %arg2[%dma_wait3A_136, %dma_wait3A_137] : memref<1024x64xf32, #tpu.memory_space<hbm>> -> memref<1024x64xf32, #tpu.memory_space<hbm>>
    tpu.wait_indirect_dma semaphore(%arg7 : memref<!tpu.dma_semaphore, #tpu.memory_space<semaphore_mem>>) src(%dma_wait3A_138 : memref<1024x64xf32, #tpu.memory_space<hbm>>) dst(%dma_wait3A_132 : memref<128x64xf32, #tpu.memory_space<vmem>>)
    %dma_wait3A_139 = arith.constant 5 : i32
    %dma_wait3A_140 = arith.constant 640 : i32
    %dma_wait3A_141 = arith.constant 0 : i32
    %dma_wait3A_142 = tpu.memref_slice %arg6[%dma_wait3A_140, %dma_wait3A_141] : memref<1152x64xf32, #tpu.memory_space<vmem>> -> memref<128x64xf32, #tpu.memory_space<vmem>>
    %dma_wait3A_143 = arith.constant 0 : i32
    %dma_wait3A_144 = tpu.memref_slice %arg5[%dma_wait3A_139, %dma_wait3A_143] : memref<9x128xi32, #tpu.memory_space<vmem>> -> memref<1x128xi32, #tpu.memory_space<vmem>>
    %dma_wait3A_145 = tpu.memref_squeeze %dma_wait3A_144 : memref<1x128xi32, #tpu.memory_space<vmem>> -> memref<128xi32, #tpu.memory_space<vmem>>
    %dma_wait3A_146 = arith.constant 0 : i32
    %dma_wait3A_147 = arith.constant 0 : i32
    %dma_wait3A_148 = tpu.memref_slice %arg2[%dma_wait3A_146, %dma_wait3A_147] : memref<1024x64xf32, #tpu.memory_space<hbm>> -> memref<1024x64xf32, #tpu.memory_space<hbm>>
    tpu.wait_indirect_dma semaphore(%arg7 : memref<!tpu.dma_semaphore, #tpu.memory_space<semaphore_mem>>) src(%dma_wait3A_148 : memref<1024x64xf32, #tpu.memory_space<hbm>>) dst(%dma_wait3A_142 : memref<128x64xf32, #tpu.memory_space<vmem>>)
    %dma_wait3A_149 = arith.constant 6 : i32
    %dma_wait3A_150 = arith.constant 768 : i32
    %dma_wait3A_151 = arith.constant 0 : i32
    %dma_wait3A_152 = tpu.memref_slice %arg6[%dma_wait3A_150, %dma_wait3A_151] : memref<1152x64xf32, #tpu.memory_space<vmem>> -> memref<128x64xf32, #tpu.memory_space<vmem>>
    %dma_wait3A_153 = arith.constant 0 : i32
    %dma_wait3A_154 = tpu.memref_slice %arg5[%dma_wait3A_149, %dma_wait3A_153] : memref<9x128xi32, #tpu.memory_space<vmem>> -> memref<1x128xi32, #tpu.memory_space<vmem>>
    %dma_wait3A_155 = tpu.memref_squeeze %dma_wait3A_154 : memref<1x128xi32, #tpu.memory_space<vmem>> -> memref<128xi32, #tpu.memory_space<vmem>>
    %dma_wait3A_156 = arith.constant 0 : i32
    %dma_wait3A_157 = arith.constant 0 : i32
    %dma_wait3A_158 = tpu.memref_slice %arg2[%dma_wait3A_156, %dma_wait3A_157] : memref<1024x64xf32, #tpu.memory_space<hbm>> -> memref<1024x64xf32, #tpu.memory_space<hbm>>
    tpu.wait_indirect_dma semaphore(%arg7 : memref<!tpu.dma_semaphore, #tpu.memory_space<semaphore_mem>>) src(%dma_wait3A_158 : memref<1024x64xf32, #tpu.memory_space<hbm>>) dst(%dma_wait3A_152 : memref<128x64xf32, #tpu.memory_space<vmem>>)
    %dma_wait3A_159 = arith.constant 7 : i32
    %dma_wait3A_160 = arith.constant 896 : i32
    %dma_wait3A_161 = arith.constant 0 : i32
    %dma_wait3A_162 = tpu.memref_slice %arg6[%dma_wait3A_160, %dma_wait3A_161] : memref<1152x64xf32, #tpu.memory_space<vmem>> -> memref<128x64xf32, #tpu.memory_space<vmem>>
    %dma_wait3A_163 = arith.constant 0 : i32
    %dma_wait3A_164 = tpu.memref_slice %arg5[%dma_wait3A_159, %dma_wait3A_163] : memref<9x128xi32, #tpu.memory_space<vmem>> -> memref<1x128xi32, #tpu.memory_space<vmem>>
    %dma_wait3A_165 = tpu.memref_squeeze %dma_wait3A_164 : memref<1x128xi32, #tpu.memory_space<vmem>> -> memref<128xi32, #tpu.memory_space<vmem>>
    %dma_wait3A_166 = arith.constant 0 : i32
    %dma_wait3A_167 = arith.constant 0 : i32
    %dma_wait3A_168 = tpu.memref_slice %arg2[%dma_wait3A_166, %dma_wait3A_167] : memref<1024x64xf32, #tpu.memory_space<hbm>> -> memref<1024x64xf32, #tpu.memory_space<hbm>>
    tpu.wait_indirect_dma semaphore(%arg7 : memref<!tpu.dma_semaphore, #tpu.memory_space<semaphore_mem>>) src(%dma_wait3A_168 : memref<1024x64xf32, #tpu.memory_space<hbm>>) dst(%dma_wait3A_162 : memref<128x64xf32, #tpu.memory_space<vmem>>)
    %dma_wait3A_169 = arith.constant 8 : i32
    %dma_wait3A_170 = arith.constant 1024 : i32
    %dma_wait3A_171 = arith.constant 0 : i32
    %dma_wait3A_172 = tpu.memref_slice %arg6[%dma_wait3A_170, %dma_wait3A_171] : memref<1152x64xf32, #tpu.memory_space<vmem>> -> memref<128x64xf32, #tpu.memory_space<vmem>>
    %dma_wait3A_173 = arith.constant 0 : i32
    %dma_wait3A_174 = tpu.memref_slice %arg5[%dma_wait3A_169, %dma_wait3A_173] : memref<9x128xi32, #tpu.memory_space<vmem>> -> memref<1x128xi32, #tpu.memory_space<vmem>>
    %dma_wait3A_175 = tpu.memref_squeeze %dma_wait3A_174 : memref<1x128xi32, #tpu.memory_space<vmem>> -> memref<128xi32, #tpu.memory_space<vmem>>
    %dma_wait3A_176 = arith.constant 0 : i32
    %dma_wait3A_177 = arith.constant 0 : i32
    %dma_wait3A_178 = tpu.memref_slice %arg2[%dma_wait3A_176, %dma_wait3A_177] : memref<1024x64xf32, #tpu.memory_space<hbm>> -> memref<1024x64xf32, #tpu.memory_space<hbm>>
    tpu.wait_indirect_dma semaphore(%arg7 : memref<!tpu.dma_semaphore, #tpu.memory_space<semaphore_mem>>) src(%dma_wait3A_178 : memref<1024x64xf32, #tpu.memory_space<hbm>>) dst(%dma_wait3A_172 : memref<128x64xf32, #tpu.memory_space<vmem>>)
    %mul3A_179 = arith.constant 1152 : i32
    %mul3A_180 = arith.muli %add3A, %mul3A_179 : i32
    "tpu.region"() ({
      %run_scoped3A = tpu.sem_alloc : memref<!tpu.dma_semaphore, #tpu.memory_space<semaphore_mem>>
      %dma_start3A_181 = arith.constant 0 : i32
      %dma_start3A_182 = tpu.memref_slice %arg4[%mul3A_180, %dma_start3A_181] : memref<36864x64xf32, #tpu.memory_space<hbm>> -> memref<1152x64xf32, #tpu.memory_space<hbm>>
      %dma_start3A_183 = arith.constant 0 : i32
      %dma_start3A_184 = tpu.memref_slice %arg4[%mul3A_180, %dma_start3A_183] : memref<36864x64xf32, #tpu.memory_space<hbm>> -> memref<1152x64xf32, #tpu.memory_space<hbm>>
      tpu.enqueue_dma source(%arg6 : memref<1152x64xf32, #tpu.memory_space<vmem>>) target(%dma_start3A_184 : memref<1152x64xf32, #tpu.memory_space<hbm>>) target_semaphore(%run_scoped3A : memref<!tpu.dma_semaphore, #tpu.memory_space<semaphore_mem>>)
      %dma_wait3A_185 = arith.constant 0 : i32
      %dma_wait3A_186 = tpu.memref_slice %arg4[%mul3A_180, %dma_wait3A_185] : memref<36864x64xf32, #tpu.memory_space<hbm>> -> memref<1152x64xf32, #tpu.memory_space<hbm>>
      %dma_wait3A_187 = arith.constant 0 : i32
      %dma_wait3A_188 = tpu.memref_slice %arg4[%mul3A_180, %dma_wait3A_187] : memref<36864x64xf32, #tpu.memory_space<hbm>> -> memref<1152x64xf32, #tpu.memory_space<hbm>>
      tpu.wait_dma2 semaphore(%run_scoped3A : memref<!tpu.dma_semaphore, #tpu.memory_space<semaphore_mem>>) src(%arg6 : memref<1152x64xf32, #tpu.memory_space<vmem>>) dst(%dma_wait3A_188 : memref<1152x64xf32, #tpu.memory_space<hbm>>)
      tpu.yield
    }) : () -> ()
    return
  }
}

module attributes {stable_mosaic.version = 14 : i64} {
  func.func @_tc_body(%arg0: i32, %arg1: memref<1152x64xf32, #tpu.memory_space<vmem>>, %arg2: memref<1024x64xf32, #tpu.memory_space<vmem>>, %arg3: memref<1x1x1152xi32, #tpu.memory_space<vmem>>) attributes {dimension_semantics = [#tpu.dimension_semantics<arbitrary>], iteration_bounds = array<i64: 32>, scalar_prefetch = 0 : i64, scratch_operands = 0 : i64, tpu.core_type = #tpu.core_type<tc>, window_params = [{transform_indices = @transform_0, window_bounds = array<i64: 1152, 64>}, {pipeline_mode = #tpu.pipeline_mode<synchronous>, transform_indices = @transform_1, window_bounds = array<i64: 1024, 64>}, {transform_indices = @transform_2, window_bounds = array<i64: 1, 1, 1152>}]} {
    %get3A = arith.constant 0 : index
    %get3A_0 = arith.constant 0 : index
    %get3A_1 = vector.load %arg1[%get3A, %get3A_0] : memref<1152x64xf32, #tpu.memory_space<vmem>>, vector<1152x64xf32>
    %get3A_2 = arith.constant 0 : index
    %get3A_3 = arith.constant 0 : index
    %get3A_4 = vector.load %arg2[%get3A_2, %get3A_3] : memref<1024x64xf32, #tpu.memory_space<vmem>>, vector<1024x64xf32>
    %dot_general3A = arith.constant dense<0.000000e+00> : vector<1152x1024xf32>
    %dot_general3A_5 = tpu.matmul %get3A_1, %get3A_4, %dot_general3A {dimension_numbers = #tpu.dot_dimension_numbers<[1], [1], [0], [0], [0, 0, 1, 0], [], []>, transpose_lhs_hint = false} : vector<1152x64xf32>, vector<1024x64xf32>, vector<1152x1024xf32> -> vector<1152x1024xf32>
    %mul3A = arith.mulf %get3A_1, %get3A_1 : vector<1152x64xf32>
    %reduce_sum3A = arith.constant dense<0.000000e+00> : vector<1152xf32>
    %reduce_sum3A_6 = vector.multi_reduction <add>, %mul3A, %reduce_sum3A [1] : vector<1152x64xf32> to vector<1152xf32>
    %broadcast_in_dim3A = vector.shape_cast %reduce_sum3A_6 : vector<1152xf32> to vector<1152x1xf32>
    %mul3A_7 = arith.mulf %get3A_4, %get3A_4 : vector<1024x64xf32>
    %reduce_sum3A_8 = arith.constant dense<0.000000e+00> : vector<1024xf32>
    %reduce_sum3A_9 = vector.multi_reduction <add>, %mul3A_7, %reduce_sum3A_8 [1] : vector<1024x64xf32> to vector<1024xf32>
    %broadcast_in_dim3A_10 = vector.shape_cast %reduce_sum3A_9 : vector<1024xf32> to vector<1x1024xf32>
    %mul3A_11 = arith.constant 2.000000e+00 : f32
    %mul3A_12 = vector.broadcast %mul3A_11 : f32 to vector<1152x1024xf32>
    %mul3A_13 = arith.mulf %mul3A_12, %dot_general3A_5 : vector<1152x1024xf32>
    %sub3A = vector.broadcast %broadcast_in_dim3A : vector<1152x1xf32> to vector<1152x1024xf32>
    %sub3A_14 = arith.subf %sub3A, %mul3A_13 : vector<1152x1024xf32>
    %add3A = vector.broadcast %broadcast_in_dim3A_10 : vector<1x1024xf32> to vector<1152x1024xf32>
    %add3A_15 = arith.addf %sub3A_14, %add3A : vector<1152x1024xf32>
    %sqrt3A = math.sqrt %add3A_15 : vector<1152x1024xf32>
    %reduce_min3A = arith.constant dense<0x7F800000> : vector<1152xf32>
    %reduce_min3A_16 = vector.multi_reduction <minimumf>, %sqrt3A, %reduce_min3A [1] : vector<1152x1024xf32> to vector<1152xf32>
    %broadcast_in_dim3A_17 = vector.shape_cast %reduce_min3A_16 : vector<1152xf32> to vector<1152x1xf32>
    %iota3A = tpu.iota {dimensions = array<i32: 1>} : vector<1152x1024xi32>
    %eq3A = vector.broadcast %broadcast_in_dim3A_17 : vector<1152x1xf32> to vector<1152x1024xf32>
    %eq3A_18 = arith.cmpf oeq, %sqrt3A, %eq3A : vector<1152x1024xf32>
    %jit3A = arith.constant 1024 : i32
    %broadcast_in_dim3A_19 = vector.broadcast %jit3A : i32 to vector<1152x1024xi32>
    %select_n3A = arith.select %eq3A_18, %iota3A, %broadcast_in_dim3A_19 : vector<1152x1024xi1>, vector<1152x1024xi32>
    %reduce_min3A_20 = arith.constant dense<2147483647> : vector<1152xi32>
    %reduce_min3A_21 = vector.multi_reduction <minsi>, %select_n3A, %reduce_min3A_20 [1] : vector<1152x1024xi32> to vector<1152xi32>
    %swap3A = arith.constant 0 : index
    %swap3A_22 = arith.constant 0 : index
    %swap3A_23 = arith.constant 0 : index
    %swap3A_24 = vector.load %arg3[%swap3A, %swap3A_22, %swap3A_23] : memref<1x1x1152xi32, #tpu.memory_space<vmem>>, vector<1x1x1152xi32>
    %swap3A_25 = vector.shape_cast %swap3A_24 : vector<1x1x1152xi32> to vector<1152xi32>
    %swap3A_26 = vector.shape_cast %reduce_min3A_21 : vector<1152xi32> to vector<1x1x1152xi32>
    tpu.vector_store %arg3[%swap3A, %swap3A_22, %swap3A_23], %swap3A_26 {strides = array<i32>} : memref<1x1x1152xi32, #tpu.memory_space<vmem>>, vector<1x1x1152xi32>,
    return
  }
  func.func @transform_0(%arg0: i32) -> (i32, i32) {
    %c0_i32 = arith.constant 0 : i32
    %c0_i32_0 = arith.constant 0 : i32
    return %arg0, %c0_i32 : i32, i32
  }
  func.func @transform_1(%arg0: i32) -> (i32, i32) {
    %c0_i32 = arith.constant 0 : i32
    %c0_i32_0 = arith.constant 0 : i32
    %c0_i32_1 = arith.constant 0 : i32
    return %c0_i32, %c0_i32_0 : i32, i32
  }
  func.func @transform_2(%arg0: i32) -> (i32, i32, i32) {
    %c0_i32 = arith.constant 0 : i32
    %c0_i32_0 = arith.constant 0 : i32
    %c0_i32_1 = arith.constant 0 : i32
    return %arg0, %c0_i32, %c0_i32_0 : i32, i32, i32
  }
}

</mosaic_0001>

<sc_bundles>
// kernel: kernel.4.cloned.1.call-start
scs
__scs_entry_jumppad:
0x0: {  	(pc) =	sbr.rel $0x88, $3  }
0x1: {  	(tag) =	ssettag $0x0;
	lr =	simm.s32 $0x1  }
0x2: {  	[smem:$0x3F9F] =	sst lr;
	_ =	strace $0xD0000000  }
0x3: {  	_ = 	snop  }
0x4: {  	_ = 	snop  }
0x5: {  	_ = 	snop  }
0x6: {  	_ = 	snop  }
0x7: {  	_ = 	snop  }
__scs_overlays_trampoline_lowered:
0x8: {  	[smem:$0x3FAE] =	sst s0  }
0x9: {  	[smem:$0x3FAF] =	sst s1  }
0xa: {  	[smem:$0x3FB0] =	sst s2  }
0xb: {  	[smem:$0x3FB1] =	sst s3  }
0xc: {  	[smem:$0x3FB2] =	sst s4  }
0xd: {  	[smem:$0x3FB3] =	sst s5  }
0xe: {  	[smem:$0x3FB4] =	sst s6  }
0xf: {  	[smem:$0x3FB5] =	sst s7  }
0x10: {  	[smem:$0x3FB6] =	sst s8  }
0x11: {  	[smem:$0x3FB7] =	sst s9;
	s0 =	simm.s32 @!p0 $0x0  }
0x12: {  	s1 =	sld [smem:$0x3F9D];
	s0 =	simm.s32 @p0 $0x1  }
0x13: {  	[smem:$0x3FB8] =	sst s0;
	s0 =	simm.s32 @!p1 $0x0  }
0x14: {  	s2 =	sld [smem:$0x3F9C];
	s0 =	simm.s32 @p1 $0x1  }
0x15: {  	[smem:$0x3FB9] =	sst s0;
	s0 =	simm.s32 @!p2 $0x0  }
0x16: {  	s3 =	sld [smem:$0x3FDB];
	s0 =	simm.s32 @p2 $0x1  }
0x17: {  	s4 =	simm.s32 $0x1BF5;
	[smem:$0x3FBB] =	sst s0  }
0x18: {  	s0 =	sld [smem:$0x3F9E];
	_ =	swait.ge [sflag:s4], $0x0  }
0x19: {  	s7 =	sld [smem:$0x3F9F]  }
0x1a: {  	s8 =	sadd.s32 $0xFFFFE003, lr  }
0x1b: {  	s9 =	sadd.s32 $0xFFFFFEF7, lr;
	s5 =	simm.s32 $0xFFFFFFFF;
	p2 =	slt.u32 s8, $0xFFFFF086  }
0x1c: {  	p1 =	slt.u32 s9, $0xF7A;
	s5 =	simm.s32 @!p2 $0x0  }
0x1d: {  	s5 =	simm.s32 @p1 $0x1;
	p0 =	seq.s32 s7, s2  }
0x1e: {  	s7 =	smul.u32 @!p0 $0xF7A, s2;
	p2 =	seq.s32 @!p0 s5, $0x0  }
0x1f: {  	s9 =	smul.u32 $0xF7A, s1;
	s8 =	simm.s32 @!p0 $0x1BF5;
	p2 =	por !p2, p0  }
0x20: {  	[sflag:s8] =	ssyncset.s32 @!p0 $0xFFFFF086;
	s6 =	sadd.s32 @!p0 s3, s7;
	s7 =	simm.s32 @!p0 $0x108  }
0x21: {  	s3 =	sadd.s32 s3, s9;
	s6 =	sadd.s32 @!p0 $0x88, s6;
	s7 =	simm.s32 @p2 $0x1082  }
0x22: {  	[simem:s7], [sflag:s8] =	dma.local @!p0 [hbm:s6], $0xF7A  }
0x23: {  	s9 =	sor.u32 $0xD0000000, s2;
	s6 =	simm.s32 $0x108;
	_ =	swait.ge @!p0 [sflag:s8], $0x0  }
0x24: {  	s3 =	sadd.s32 $0x88, s3;
	s6 =	simm.s32 @!p1 $0x1082;
	[sflag:s4] =	ssyncset.s32 $0xFFFFF086  }
0x25: {  	[simem:s6], [sflag:s4] =	dma.local [hbm:s3], $0xF7A  }
0x26: {  	[smem:$0x3F9F] =	sst s1;
	(tag) =	ssettag s2;
	_ =	strace s9  }
0x27: {  	s1 =	sld [smem:$0x3FAF]  }
0x28: {  	s2 =	sld [smem:$0x3FB0]  }
0x29: {  	s4 =	sld [smem:$0x3FB2]  }
0x2a: {  	p0 =	seq.s32 s5, $0x0;
	s5 =	sld [smem:$0x3FB3]  }
0x2b: {  	s6 =	sld [smem:$0x3FB4]  }
0x2c: {  	s7 =	sld [smem:$0x3FB5]  }
0x2d: {  	s3 =	simm.s32 $0x108;
	s8 =	sld [smem:$0x3FB6]  }
0x2e: {  	s3 =	simm.s32 @!p0 $0x1082;
	s9 =	sld [smem:$0x3FB7]  }
0x2f: {  	lr =	sadd.s32 s0, s3;
	s0 =	sld [smem:$0x3FAE]  }
0x30: {  	s3 =	sld [smem:$0x3FB1]  }
0x31: {  	[smem:$0x3FBA] =	sst s10  }
0x32: {  	s10 =	sld [smem:$0x3FB8];
	_ =	sdelay $0x3  }
0x33: {  	p0 =	seq.s32 s10, $0x1;
	s10 =	sld [smem:$0x3FBA];
	_ =	sdelay $0x3  }
0x34: {  	[smem:$0x3FBA] =	sst s10  }
0x35: {  	s10 =	sld [smem:$0x3FB9];
	_ =	sdelay $0x3  }
0x36: {  	p1 =	seq.s32 s10, $0x1;
	s10 =	sld [smem:$0x3FBA];
	_ =	sdelay $0x3  }
0x37: {  	[smem:$0x3FBA] =	sst s10  }
0x38: {  	s10 =	sld [smem:$0x3FBB]  }
0x39: {  	_ = 	snop;
	(pc) =	sbr.ind lr, $3  }
0x3a: {  	_ = 	snop  }
0x3b: {  	_ = 	snop  }
0x3c: {  	p2 =	seq.s32 s10, $0x1;
	s10 =	sld [smem:$0x3FBA]  }
0x3d: {  	_ =	shalt  }
0x3e: {  	_ =	shalt  }
0x3f: {  	_ =	shalt  }
0x40: {  	_ =	shalt  }
0x41: {  	_ =	shalt  }
0x42: {  	_ =	shalt  }
0x43: {  	_ =	shalt  }
0x44: {  	_ =	shalt  }
0x45: {  	_ =	shalt  }
0x46: {  	_ =	shalt  }
0x47: {  	_ =	shalt  }
0x48: {  	_ =	shalt  }
0x49: {  	_ =	shalt  }
0x4a: {  	_ =	shalt  }
0x4b: {  	_ =	shalt  }
0x4c: {  	_ =	shalt  }
0x4d: {  	_ =	shalt  }
0x4e: {  	_ =	shalt  }
0x4f: {  	_ =	shalt  }
0x50: {  	_ =	shalt  }
0x51: {  	_ =	shalt  }
0x52: {  	_ =	shalt  }
0x53: {  	_ =	shalt  }
0x54: {  	_ =	shalt  }
0x55: {  	_ =	shalt  }
0x56: {  	_ =	shalt  }
0x57: {  	_ =	shalt  }
0x58: {  	_ =	shalt  }
0x59: {  	_ =	shalt  }
0x5a: {  	_ =	shalt  }
0x5b: {  	_ =	shalt  }
0x5c: {  	_ =	shalt  }
0x5d: {  	_ =	shalt  }
0x5e: {  	_ =	shalt  }
0x5f: {  	_ =	shalt  }
0x60: {  	_ =	shalt  }
0x61: {  	_ =	shalt  }
0x62: {  	_ =	shalt  }
0x63: {  	_ =	shalt  }
0x64: {  	_ =	shalt  }
0x65: {  	_ =	shalt  }
0x66: {  	_ =	shalt  }
0x67: {  	_ =	shalt  }
0x68: {  	_ =	shalt  }
0x69: {  	_ =	shalt  }
0x6a: {  	_ =	shalt  }
0x6b: {  	_ =	shalt  }
0x6c: {  	_ =	shalt  }
0x6d: {  	_ =	shalt  }
0x6e: {  	_ =	shalt  }
0x6f: {  	_ =	shalt  }
0x70: {  	_ =	shalt  }
0x71: {  	_ =	shalt  }
0x72: {  	_ =	shalt  }
0x73: {  	_ =	shalt  }
0x74: {  	_ =	shalt  }
0x75: {  	_ =	shalt  }
0x76: {  	_ =	shalt  }
0x77: {  	_ =	shalt  }
0x78: {  	_ =	shalt  }
0x79: {  	_ =	shalt  }
0x7a: {  	_ =	shalt  }
0x7b: {  	_ =	shalt  }
0x7c: {  	_ =	shalt  }
0x7d: {  	_ =	shalt  }
0x7e: {  	_ =	shalt  }
0x7f: {  	_ =	shalt  }
0x80: {  	_ =	shalt  }
0x81: {  	_ =	shalt  }
0x82: {  	_ =	shalt  }
0x83: {  	_ =	shalt  }
0x84: {  	_ =	shalt  }
0x85: {  	_ =	shalt  }
0x86: {  	_ =	shalt  }
0x87: {  	_ =	shalt  }
.Lfunc_end0:
.L_simem_size_0:
called_computation_lowered:
.L_overlay_start_0:
0x88: {  	s2 =	sld [smem:$0x3FD9]  }
0x89: {  	s3 =	sld [smem:$0x3FFE];
	_ =	sdelay $0x1  }
0x8a: {  	s1 =	srdreg.scid  }
0x8b: {  	s0 =	sand.u32 $0x1, s1  }
0x8c: {  	s14 =	sshll.u32 s0, $0xA;
	s2 =	sadd.s32 s3, s2  }
0x8d: {  	s2 =	sadd.s32 s2, s14  }
0x8e: {  	[smem:$0x3FC6] =	sst s2  }
0x8f: {  	_ = 	snop  }
0x90: {  	s2 =	sld [smem:$0x3FD0];
	_ =	sdelay $0x2  }
0x91: {  	s15 =	simm.s32 $0xA;
	s4 =	simm.s32 $0x10  }
0x92: {  	[smem:s4], [sflag:s15] =	dma.local [hbm:s2], $0x1  }
0x93: {  	_ =	swait.eq [sflag:s15], $0x1  }
0x94: {  	[sflag:s15] =	ssyncset.done $0x0  }
0x95: {  	[sflag:s15] =	ssyncadd.s32 $0xFFFFFFFF  }
0x96: {  	s16 =	sld [smem:$0x10];
	(tm) =	ssettm $0x1  }
0x97: {  	s17 =	sld [smem:$0x3FFB];
	_ =	sdelay $0x3  }
0x98: {  	_ =	strace s17  }
0x99: {  	s3 =	sld [smem:$0x3FFC];
	_ =	sdelay $0x3  }
0x9a: {  	_ =	strace s3  }
0x9b: {  	s3 =	sld [smem:$0x3FFD];
	_ =	sdelay $0x3  }
0x9c: {  	_ =	strace s3  }
0x9d: {  	_ =	strace $0x8FFFFFFF  }
0x9e: {  	s18 =	sld [smem:$0x3FDB];
	_ =	sdelay $0x1  }
0x9f: {  	s19 =	simm.s32 $_scs_section_size  }
0xa0: {  	s5 =	simm.s32 $_size__tile_overlayer_lowered;
	s6 =	simm.s32 $_tile_overlayer_lowered  }
0xa1: {  	s22 =	simm.s32 $0x1BFF;
	s21 =	sshll.u32 s6, $0x1;
	s3 =	sadd.s32 s19, s18  }
0xa2: {  	s7 =	simm.s32 $0x0;
	s20 =	sshll.u32 s5, $0x1;
	s5 =	sadd.s32 s21, s3  }
0xa3: {  	[timem:s7], [sflag:s22] =	dma.local [hbm:s5], s20  }
0xa4: {  	_ =	swait.ge [sflag:s22], s20  }
0xa5: {  	s4 =	ssub.s32 $0x0, s20;
	[sflag:s22] =	ssyncset.done $0x0  }
0xa6: {  	[sflag:s22] =	ssyncadd.s32 s4;
	_ =	sdelay $0x1  }
0xa7: {  	s23 =	simm.s32 $0x1B8B  }
0xa8: {  	_ =	swait.ge [sflag:s23], $0x1  }
0xa9: {  	[sflag:s23] =	ssyncset.done $0x0  }
0xaa: {  	s25 =	simm.s32 $0x1B8E;
	s24 =	sld [smem:$0x3FFE];
	[sflag:s23] =	ssyncadd.s32 $0xFFFFFFFF  }
0xab: {  	s26 =	simm.s32 $execute0_lowered;
	[smem:$0x3FD2] =	sst s25  }
0xac: {  	s5 =	sshll.u32 s26, $0x1;
	_ =	strace $0x80000046;
	[dreg:$0x1] =	wrdreg $0xFFFFFFFF  }
0xad: {  	s28 =	simm.s32 $_size_execute0_lowered;
	s3 =	sadd.s32 s3, s5;
	[dreg:$0x0] =	wrdreg $0x0  }
0xae: {  	s5 =	sshll.u32 s28, $0x1;
	[dreg:$0x2] =	wrdreg s3  }
0xaf: {  	[dreg:$0x3] =	wrdreg s5  }
0xb0: {  	[dreg:$0x4] =	wrdreg $0xC0  }
0xb1: {  	_ =	task [dreg:s7], $0x5FFFF  }
0xb2: {  	[dreg:$0x1] =	wrdreg $0xFFFFFFFF  }
0xb3: {  	[dreg:$0x0] =	wrdreg $0x60  }
0xb4: {  	[dreg:$0x2] =	wrdreg s24  }
0xb5: {  	[dreg:$0x3] =	wrdreg s16  }
0xb6: {  	[dreg:$0x4] =	wrdreg $0x9  }
0xb7: {  	_ =	task.clear_ibuf [dreg:s7], $0x5FFFF;
	_ =	strace $0x90000046  }
0xb8: {  	s29 =	simm.s32 $0x9;
	_ =	strace $0x80000048  }
0xb9: {  	_ =	swait.ge [sflag:s29], $0x1  }
0xba: {  	[sflag:s29] =	ssyncadd.s32 $0xFFFFFFFF  }
0xbb: {  	_ =	strace $0x90000048  }
0xbc: {  	_ =	sfence  }
0xbd: {  	s30 =	sld [smem:$0x0];
	_ =	sdelay $0x2  }
0xbe: {  	s31 =	sshll.u32 s1, $0xD;
	s1 =	sshrl.u32 s1, $0x2  }
0xbf: {  	s3 =	sand.u32 $0x4000, s31;
	s1 =	sadd.s32 s1, s30  }
0xc0: {  	s0 =	sor.u32 s3, s0;
	s1 =	sshll.u32 s1, $0x11  }
0xc1: {  	s0 =	sor.u32 s1, s0  }
0xc2: {  	s0 =	sadd.s32 $0x8F2B, s0  }
0xc3: {  	[sflag:s0] =	ssyncadd.remote.s32 $0x1  }
0xc4: {  	_ =	sfence.sel $0xFFFF  }
0xc5: {  	[dreg:$0x0] =	wrdreg $0xFFFFFFFF;
	(pc) =	sbr.abs _section_cstart, $3  }
0xc6: {  	[dreg:$0x1] =	wrdreg $0xFFFFFFFF  }
0xc7: {  	_ =	task.clear_ibuf [dreg:s7], $0x2FFFF;
	_ =	strace $0x9FFFFFFF  }
0xc8: {  	(tm) =	ssettm $0x7FFFFFFF  }
0xc9: {  	_ =	shalt  }
tec
execute0_lowered:
.L_overlay_start_1:
0x0: {  	(tag) =	ssettag $0x1  }
0x1: {  	s1 =	srdreg.scid;
	s0 =	stileid.u32  }
0x2: {  	s25 =	sand.u32 $0x1, s1;
	s31 =	sshll.u32 s0, $0x1  }
0x3: {  	s5 =	rddreg [dreg:$0x0];
	s26 =	sor.u32 s25, s31  }
0x4: {  	s24 =	rddreg [dreg:$0x1];
	s3 =	smul.u32 $0x90, s26  }
0x5: {  	s2 =	simm.s32 $0x0;
	s1 =	rddreg [dreg:$0x2]  }
0x6: {  	[smem:$0x7FF] =	sst s2;
	s3 =	sadd.s32 s3, s5  }
0x7: {  	_ =	strace $0x80000047;
	s4 =	sadd.s32 $0x2400, s3;
	s3 =	simm.s32 $0x2  }
0x8: {  	[tilespmem:s2], [sflag:$0x2] =	stream.linear.gather [hbm4b:s4+s2], $0x480, $0x38;
	[tilespmem:$0x12480] =	vst v63  }
0x9: {  	_ =	swait.ge [sflag:s3], $0x480  }
0xa: {  	s6 =	simm.s32 $0x80;
	[sflag:s3] =	ssyncset.done $0x0  }
0xb: {  	s7 =	simm.s32 $0x480;
	s5 =	sadd.s32 $0x400, s5;
	[sflag:s3] =	ssyncadd.s32 $0xFFFFFB80  }
0xc: {  	[tilespmem:s7], [sflag:$0x1] =	stream.indirect.gather [hbm4b:s5+s6], $0x40, s2, s6, $0xb8;
	[tilespmem:$0x12480] =	vst v63  }
0xd: {  	s8 =	simm.s32 $0x2480  }
0xe: {  	[tilespmem:s8], [sflag:$0x1] =	stream.indirect.gather [hbm4b:s5+s6], $0x40, s6, s6, $0xb8;
	[tilespmem:$0x12480] =	vst v63  }
0xf: {  	s9 =	simm.s32 $0x100;
	s10 =	simm.s32 $0x4480  }
0x10: {  	[tilespmem:s10], [sflag:$0x1] =	stream.indirect.gather [hbm4b:s5+s6], $0x40, s9, s6, $0xb8;
	[tilespmem:$0x12480] =	vst v63  }
0x11: {  	s11 =	simm.s32 $0x180;
	s12 =	simm.s32 $0x6480  }
0x12: {  	[tilespmem:s12], [sflag:$0x1] =	stream.indirect.gather [hbm4b:s5+s6], $0x40, s11, s6, $0xb8;
	[tilespmem:$0x12480] =	vst v63  }
0x13: {  	s13 =	simm.s32 $0x200;
	s14 =	simm.s32 $0x8480  }
0x14: {  	[tilespmem:s14], [sflag:$0x1] =	stream.indirect.gather [hbm4b:s5+s6], $0x40, s13, s6, $0xb8;
	[tilespmem:$0x12480] =	vst v63  }
0x15: {  	s15 =	simm.s32 $0x280;
	s16 =	simm.s32 $0xA480  }
0x16: {  	[tilespmem:s16], [sflag:$0x1] =	stream.indirect.gather [hbm4b:s5+s6], $0x40, s15, s6, $0xb8;
	[tilespmem:$0x12480] =	vst v63  }
0x17: {  	s17 =	simm.s32 $0x300;
	s18 =	simm.s32 $0xC480  }
0x18: {  	[tilespmem:s18], [sflag:$0x1] =	stream.indirect.gather [hbm4b:s5+s6], $0x40, s17, s6, $0xb8;
	[tilespmem:$0x12480] =	vst v63  }
0x19: {  	s19 =	simm.s32 $0x380;
	s20 =	simm.s32 $0xE480  }
0x1a: {  	[tilespmem:s20], [sflag:$0x1] =	stream.indirect.gather [hbm4b:s5+s6], $0x40, s19, s6, $0xb8;
	[tilespmem:$0x12480] =	vst v63  }
0x1b: {  	s21 =	simm.s32 $0x400;
	s22 =	simm.s32 $0x10480;
	s23 =	simm.s32 $0x1  }
0x1c: {  	[tilespmem:s22], [sflag:$0x1] =	stream.indirect.gather [hbm4b:s5+s6], $0x40, s21, s6, $0xb8;
	[tilespmem:$0x12480] =	vst v63  }
0x1d: {  	_ =	swait.ge [sflag:s23], $0x2000  }
0x1e: {  	[sflag:s23] =	ssyncset.done $0x0  }
0x1f: {  	[sflag:s23] =	ssyncadd.s32 $0xFFFFE000  }
0x20: {  	_ =	swait.ge [sflag:s23], $0x2000  }
0x21: {  	[sflag:s23] =	ssyncset.done $0x0  }
0x22: {  	[sflag:s23] =	ssyncadd.s32 $0xFFFFE000  }
0x23: {  	_ =	swait.ge [sflag:s23], $0x2000  }
0x24: {  	[sflag:s23] =	ssyncset.done $0x0  }
0x25: {  	[sflag:s23] =	ssyncadd.s32 $0xFFFFE000  }
0x26: {  	_ =	swait.ge [sflag:s23], $0x2000  }
0x27: {  	[sflag:s23] =	ssyncset.done $0x0  }
0x28: {  	[sflag:s23] =	ssyncadd.s32 $0xFFFFE000  }
0x29: {  	_ =	swait.ge [sflag:s23], $0x2000  }
0x2a: {  	[sflag:s23] =	ssyncset.done $0x0  }
0x2b: {  	[sflag:s23] =	ssyncadd.s32 $0xFFFFE000  }
0x2c: {  	_ =	swait.ge [sflag:s23], $0x2000  }
0x2d: {  	[sflag:s23] =	ssyncset.done $0x0  }
0x2e: {  	[sflag:s23] =	ssyncadd.s32 $0xFFFFE000  }
0x2f: {  	_ =	swait.ge [sflag:s23], $0x2000  }
0x30: {  	[sflag:s23] =	ssyncset.done $0x0  }
0x31: {  	s25 =	ssub.s32 $0x2, s25;
	[sflag:s23] =	ssyncadd.s32 $0xFFFFE000  }
0x32: {  	s28 =	sshrl.u32 s25, $0x1;
	_ =	swait.ge [sflag:s23], $0x2000  }
0x33: {  	s25 =	ssub.s32 s25, s28;
	[sflag:s23] =	ssyncset.done $0x0  }
0x34: {  	s25 =	smax.u32 s25, $0x1;
	[sflag:s23] =	ssyncadd.s32 $0xFFFFE000  }
0x35: {  	s26 =	smul.u32 $0x2400, s26;
	p0 =	sne.s32 s25, $0x1;
	_ =	swait.ge [sflag:s23], $0x2000  }
.Ltmp0:
0x36: {  	[sflag:s23] =	ssyncset.done $0x0;
	(pc) =	sbr.rel @!p0 .LBB2_2-.Ltmp0, $4  }
0x37: {  	s24 =	sadd.s32 s24, s26;
	[sflag:s23] =	ssyncadd.s32 $0xFFFFE000  }
0x38: {  	[hbm4b:s24+s2] =	stream.linear.scatter [tilespmem:s7], [sflag:$0x2], $0x12000, $0x38;
	[tilespmem:$0x12480] =	vst v63  }
0x39: {  	_ =	swait.ge [sflag:s3], $0x12000  }
0x3a: {  	s25 =	sadd.s32 $0xFFFFFFFF, s25;
	[sflag:s3] =	ssyncset.done $0x0  }
.LBB2_1:
0x3b: {  	p0 =	sne.s32 s25, $0x1;
	s25 =	sadd.s32 $0xFFFFFFFF, s25;
	[sflag:s3] =	ssyncadd.s32 $0xFFFEE000  }
0x3c: {  	[tilespmem:s2], [sflag:$0x2] =	stream.linear.gather [hbm4b:s4+s2], $0x480, $0x38;
	[tilespmem:$0x12480] =	vst v63  }
0x3d: {  	_ =	swait.ge [sflag:s3], $0x480  }
0x3e: {  	[sflag:s3] =	ssyncset.done $0x0  }
0x3f: {  	[sflag:s3] =	ssyncadd.s32 $0xFFFFFB80  }
0x40: {  	[tilespmem:s7], [sflag:$0x1] =	stream.indirect.gather [hbm4b:s5+s6], $0x40, s2, s6, $0xb8;
	[tilespmem:$0x12480] =	vst v63  }
0x41: {  	_ = 	snop  }
0x42: {  	[tilespmem:s8], [sflag:$0x1] =	stream.indirect.gather [hbm4b:s5+s6], $0x40, s6, s6, $0xb8;
	[tilespmem:$0x12480] =	vst v63  }
0x43: {  	_ = 	snop  }
0x44: {  	[tilespmem:s10], [sflag:$0x1] =	stream.indirect.gather [hbm4b:s5+s6], $0x40, s9, s6, $0xb8;
	[tilespmem:$0x12480] =	vst v63  }
0x45: {  	_ = 	snop  }
0x46: {  	[tilespmem:s12], [sflag:$0x1] =	stream.indirect.gather [hbm4b:s5+s6], $0x40, s11, s6, $0xb8;
	[tilespmem:$0x12480] =	vst v63  }
0x47: {  	_ = 	snop  }
0x48: {  	[tilespmem:s14], [sflag:$0x1] =	stream.indirect.gather [hbm4b:s5+s6], $0x40, s13, s6, $0xb8;
	[tilespmem:$0x12480] =	vst v63  }
0x49: {  	_ = 	snop  }
0x4a: {  	[tilespmem:s16], [sflag:$0x1] =	stream.indirect.gather [hbm4b:s5+s6], $0x40, s15, s6, $0xb8;
	[tilespmem:$0x12480] =	vst v63  }
0x4b: {  	_ = 	snop  }
0x4c: {  	[tilespmem:s18], [sflag:$0x1] =	stream.indirect.gather [hbm4b:s5+s6], $0x40, s17, s6, $0xb8;
	[tilespmem:$0x12480] =	vst v63  }
0x4d: {  	_ = 	snop  }
0x4e: {  	[tilespmem:s20], [sflag:$0x1] =	stream.indirect.gather [hbm4b:s5+s6], $0x40, s19, s6, $0xb8;
	[tilespmem:$0x12480] =	vst v63  }
0x4f: {  	_ = 	snop  }
0x50: {  	[tilespmem:s22], [sflag:$0x1] =	stream.indirect.gather [hbm4b:s5+s6], $0x40, s21, s6, $0xb8;
	[tilespmem:$0x12480] =	vst v63  }
0x51: {  	_ =	swait.ge [sflag:s23], $0x2000  }
0x52: {  	[sflag:s23] =	ssyncset.done $0x0  }
0x53: {  	[sflag:s23] =	ssyncadd.s32 $0xFFFFE000  }
0x54: {  	_ =	swait.ge [sflag:s23], $0x2000  }
0x55: {  	[sflag:s23] =	ssyncset.done $0x0  }
0x56: {  	[sflag:s23] =	ssyncadd.s32 $0xFFFFE000  }
0x57: {  	_ =	swait.ge [sflag:s23], $0x2000  }
0x58: {  	[sflag:s23] =	ssyncset.done $0x0  }
0x59: {  	[sflag:s23] =	ssyncadd.s32 $0xFFFFE000  }
0x5a: {  	_ =	swait.ge [sflag:s23], $0x2000  }
0x5b: {  	[sflag:s23] =	ssyncset.done $0x0  }
0x5c: {  	[sflag:s23] =	ssyncadd.s32 $0xFFFFE000  }
0x5d: {  	_ =	swait.ge [sflag:s23], $0x2000  }
0x5e: {  	[sflag:s23] =	ssyncset.done $0x0  }
0x5f: {  	[sflag:s23] =	ssyncadd.s32 $0xFFFFE000  }
0x60: {  	_ =	swait.ge [sflag:s23], $0x2000  }
0x61: {  	[sflag:s23] =	ssyncset.done $0x0  }
0x62: {  	[sflag:s23] =	ssyncadd.s32 $0xFFFFE000  }
0x63: {  	_ =	swait.ge [sflag:s23], $0x2000  }
0x64: {  	[sflag:s23] =	ssyncset.done $0x0  }
0x65: {  	[sflag:s23] =	ssyncadd.s32 $0xFFFFE000  }
0x66: {  	_ =	swait.ge [sflag:s23], $0x2000  }
0x67: {  	[sflag:s23] =	ssyncset.done $0x0  }
0x68: {  	[sflag:s23] =	ssyncadd.s32 $0xFFFFE000  }
0x69: {  	_ =	swait.ge [sflag:s23], $0x2000  }
.Ltmp1:
0x6a: {  	[sflag:s23] =	ssyncset.done $0x0;
	(pc) =	sbr.rel @p0 .LBB2_1-.Ltmp1, $4  }
0x6b: {  	[sflag:s23] =	ssyncadd.s32 $0xFFFFE000  }
0x6c: {  	[hbm4b:s24+s2] =	stream.linear.scatter [tilespmem:s7], [sflag:$0x2], $0x12000, $0x38;
	[tilespmem:$0x12480] =	vst v63  }
0x6d: {  	_ =	swait.ge [sflag:s3], $0x12000  }
0x6e: {  	[sflag:s3] =	ssyncset.done $0x0  }
.LBB2_2:
0x6f: {  	[sflag:s3] =	ssyncadd.s32 $0xFFFEE000  }
0x70: {  	_ =	sfence.sel $0x180000  }
0x71: {  	[bflag:$0x0] =	sbarrier.arrive $0xFFFF  }
0x72: {  	p0 =	sne.s32 s0, $0x0;
	_ =	strace $0x90000047  }
0x73: {  	s0 =	sadd.s32 @!p0 $0x100000, s1;
	[bflag:$0x2] =	sbarrier.arrive $0xFFFF  }
0x74: {  	[sflag:s0] =	ssyncadd.tile.s32 @!p0 $0x1;
	_ =	shalt  }
.Lfunc_end2:
_tile_overlayer_lowered:
.L_overlay_start_2:
0x75: {  	(tag) =	ssettag $0x2  }
0x76: {  	s0 =	rddreg [dreg:$0x0];
	s2 =	stileid.u32  }
0x77: {  	s1 =	rddreg [dreg:$0x1];
	p0 =	sne.s32 s2, $0x0  }
0x78: {  	s3 =	rddreg [dreg:$0x2];
	[bflag:$0x3] =	sbarrier.arrive $0xFFFF;
	s2 =	simm.s32 @!p0 $0x1C02  }
0x79: {  	[timem:s3], [sflag:s2] =	dma.local @!p0 [hbm:s0], s1  }
0x7a: {  	s0 =	simm.s32 @!p0 $0x2  }
0x7b: {  	_ =	swait.ge @!p0 [sflag:s0], s1  }
0x7c: {  	s1 =	ssub.s32 @!p0 $0x0, s1;
	[sflag:s0] =	ssyncset.done @!p0 $0x0  }
0x7d: {  	[sflag:s0] =	ssyncadd.s32 @!p0 s1  }
0x7e: {  	[bflag:$0x3] =	sbarrier.arrive $0xFFFF  }
0x7f: {  	_ =	shalt  }

</sc_bundles>
